<compile_context>
chip_gen: v7x
topology: tpu7x:2x2x1
jax: 0.10.2.dev20260603
libtpu: 0.0.44.dev20260713+nightly
codegen_flags: <defaults>
</compile_context>

<pallas_src>
import functools

import jax
import jax.numpy as jnp
from jax import lax
from jax.experimental import pallas as pl
from jax.experimental.pallas import tpu as pltpu
from jax.experimental.pallas import tpu_sc as plsc

_VOCAB = 1000000
_EMBED = 32
_BATCH = 4096
_SEQ = 200

_BLK1 = 65536


def _proj_body(x_ref, w_ref, o_ref):
    o_ref[...] = jnp.sum(x_ref[...] * w_ref[:, 0:1], axis=0)


def _project_table(emb_t, w_col):
    return pl.pallas_call(
        _proj_body,
        grid=(pl.cdiv(_VOCAB, _BLK1),),
        in_specs=[
            pl.BlockSpec((_EMBED, _BLK1), lambda i: (0, i)),
            pl.BlockSpec((_EMBED, 128), lambda i: (0, 0)),
        ],
        out_specs=pl.BlockSpec((_BLK1,), lambda i: (i,)),
        out_shape=jax.ShapeDtypeStruct((_VOCAB,), jnp.float32),
    )(emb_t, w_col)



_NW = 32
_RPT = _BATCH // _NW
_IPT = _RPT * _SEQ
_NGRP = _RPT // 16


@functools.partial(
    pl.kernel,
    mesh=plsc.VectorSubcoreMesh(core_axis_name="c", subcore_axis_name="s"),
    out_type=jax.ShapeDtypeStruct((_BATCH,), jnp.float32),
    scratch_types=[
        pltpu.VMEM((_SEQ, _RPT), jnp.int32),
        pltpu.VMEM((_IPT,), jnp.float32),
        pltpu.VMEM((16,), jnp.float32),
        pltpu.VMEM((_RPT,), jnp.float32),
        pltpu.SemaphoreType.DMA,
    ],
)
def _sc_pool(ids_hbm, v_hbm, bias_hbm, out_hbm, idx_v, vals_v, bias_v,
             out_v, sem):
    wid = lax.axis_index("s") * 2 + lax.axis_index("c")
    base = pl.multiple_of(wid * _RPT, _RPT)
    pltpu.sync_copy(ids_hbm.at[:, pl.ds(base, _RPT)], idx_v)
    pltpu.sync_copy(bias_hbm, bias_v)

    def _fire(j, carry):
        off = pl.multiple_of(j * _RPT, _RPT)
        pltpu.async_copy(
            v_hbm.at[idx_v.at[j]],
            vals_v.at[pl.ds(off, _RPT)],
            sem,
        )
        return carry

    lax.fori_loop(0, _SEQ, _fire, 0, unroll=4)
    pltpu.make_async_copy(v_hbm.at[pl.ds(0, _IPT)], vals_v, sem).wait()

    bias = bias_v[...]

    def _accum(j, accs):
        row = pl.multiple_of(j * _RPT, _RPT)
        return tuple(
            accs[g] + vals_v[pl.ds(row + g * 16, 16)]
            for g in range(_NGRP)
        )

    zeros = jnp.zeros((16,), jnp.float32)
    accs = lax.fori_loop(0, _SEQ, _accum, tuple(zeros for _ in range(_NGRP)),
                         unroll=2)
    for g in range(_NGRP):
        out_v[pl.ds(g * 16, 16)] = accs[g] + bias

    pltpu.sync_copy(out_v, out_hbm.at[pl.ds(base, _RPT)])


def kernel(input_ids, embedding, fc_w, fc_b):
    ids_t = jnp.transpose(input_ids.astype(jnp.int32))
    emb_t = jnp.transpose(embedding)
    w = fc_w.astype(jnp.float32).reshape(_EMBED) * (1.0 / _SEQ)
    w_col = jnp.broadcast_to(w[:, None], (_EMBED, 128))
    v = _project_table(emb_t, w_col)
    bias_vec = jnp.broadcast_to(fc_b.astype(jnp.float32).reshape(1), (16,))
    out = _sc_pool(ids_t, v, bias_vec)
    return out.reshape(_BATCH, 1)

# --- scband reference (transcript-rebuilt; emitter-appended) ---
"""Pipeline reference for scband-sentiment-classifier-17686675325371 (READ-ONLY COPY).

The authoritative reference and input builder live on the scoring server;
editing this copy changes nothing except your own understanding.
"""

import jax, jax.numpy as jnp
import numpy as np

VOCAB = 1000000
EMBED_DIM = 32
BATCH = 4096
SEQ = 200
OUT_DIM = 1

def setup_inputs(seed: int = 0) -> dict:
    key = jax.random.key(seed)
    k1, k2, k3, k4 = jax.random.split(key, 4)
    input_ids = jax.random.randint(k1, (BATCH, SEQ), 0, VOCAB, dtype=jnp.int64 if jax.config.jax_enable_x64 else jnp.int32)
    embedding = jax.random.normal(k2, (VOCAB, EMBED_DIM), dtype=jnp.float32) * 0.02
    fc_w = jax.random.normal(k3, (OUT_DIM, EMBED_DIM), dtype=jnp.float32) * (1.0 / np.sqrt(EMBED_DIM))
    fc_b = jax.random.normal(k4, (OUT_DIM,), dtype=jnp.float32) * 0.01
    return {"input_ids": input_ids, "embedding": embedding, "fc_w": fc_w, "fc_b": fc_b}

def reference(input_ids, embedding, fc_w, fc_b):
    # nn.Embedding lookup (padding_idx only affects grads, forward is a plain gather)
    embeds = jnp.take(embedding, input_ids, axis=0)            # [B, L, D]
    mean_embeds = jnp.mean(embeds, axis=1)                     # [B, D]
    logits = mean_embeds @ fc_w.T + fc_b                       # [B, out_dim]
    return logits

if __name__ == "__main__":
    import jax
    _d = setup_inputs()
    print(jax.jit(kernel)(*tuple(_d.values())))

</pallas_src>

<mosaic_0001>
#map = affine_map<(d0, d1) -> (0, 0)>
#map1 = affine_map<(d0, d1) -> (0)>
module attributes {stable_mosaic.version = 14 : i64} {
  func.func @_sc_pool(%arg0: i32, %arg1: i32, %arg2: memref<200x4096xi32, #tpu.memory_space<hbm>>, %arg3: memref<1000000xf32, #tpu.memory_space<hbm>>, %arg4: memref<16xf32, #tpu.memory_space<hbm>>, %arg5: memref<4096xf32, #tpu.memory_space<hbm>>, %arg6: memref<200x128xi32, #tpu.memory_space<vmem>>, %arg7: memref<25600xf32, #tpu.memory_space<vmem>>, %arg8: memref<16xf32, #tpu.memory_space<vmem>>, %arg9: memref<128xf32, #tpu.memory_space<vmem>>, %arg10: memref<!tpu.dma_semaphore, #tpu.memory_space<semaphore_mem>>) attributes {dimension_semantics = [#tpu.dimension_semantics<core_parallel>, #tpu.dimension_semantics<subcore_parallel>], iteration_bounds = array<i64: 2, 16>, scalar_prefetch = 0 : i64, scratch_operands = 5 : i64, tpu.core_type = #tpu.core_type<sc_vector_subcore>, window_params = [{transform_indices = #map}, {transform_indices = #map1}, {transform_indices = #map1}, {transform_indices = #map1}]} {
    %mul3A = arith.constant 2 : i32
    %mul3A_0 = arith.muli %arg1, %mul3A : i32
    %add3A = arith.addi %mul3A_0, %arg0 : i32
    %mul3A_1 = arith.constant 128 : i32
    %mul3A_2 = arith.muli %add3A, %mul3A_1 : i32
    %multiple_of3A = tpu.assume_multiple %mul3A_2, 128 : i32
    "tpu.region"() ({
      %run_scoped3A = tpu.sem_alloc : memref<!tpu.dma_semaphore, #tpu.memory_space<semaphore_mem>>
      %dma_start3A = arith.constant 0 : i32
      %dma_start3A_59 = tpu.memref_slice %arg2[%dma_start3A, %multiple_of3A] : memref<200x4096xi32, #tpu.memory_space<hbm>> -> memref<200x128xi32, #tpu.memory_space<hbm>>
      %dma_start3A_60 = arith.constant 0 : i32
      %dma_start3A_61 = tpu.memref_slice %arg2[%dma_start3A_60, %multiple_of3A] : memref<200x4096xi32, #tpu.memory_space<hbm>> -> memref<200x128xi32, #tpu.memory_space<hbm>>
      tpu.enqueue_dma source(%dma_start3A_61 : memref<200x128xi32, #tpu.memory_space<hbm>>) target(%arg6 : memref<200x128xi32, #tpu.memory_space<vmem>>) target_semaphore(%run_scoped3A : memref<!tpu.dma_semaphore, #tpu.memory_space<semaphore_mem>>)
      %dma_wait3A_62 = arith.constant 0 : i32
      %dma_wait3A_63 = tpu.memref_slice %arg2[%dma_wait3A_62, %multiple_of3A] : memref<200x4096xi32, #tpu.memory_space<hbm>> -> memref<200x128xi32, #tpu.memory_space<hbm>>
      %dma_wait3A_64 = arith.constant 0 : i32
      %dma_wait3A_65 = tpu.memref_slice %arg2[%dma_wait3A_64, %multiple_of3A] : memref<200x4096xi32, #tpu.memory_space<hbm>> -> memref<200x128xi32, #tpu.memory_space<hbm>>
      tpu.wait_dma2 semaphore(%run_scoped3A : memref<!tpu.dma_semaphore, #tpu.memory_space<semaphore_mem>>) src(%dma_wait3A_65 : memref<200x128xi32, #tpu.memory_space<hbm>>) dst(%arg6 : memref<200x128xi32, #tpu.memory_space<vmem>>)
      tpu.yield
    }) : () -> ()
    "tpu.region"() ({
      %run_scoped3A = tpu.sem_alloc : memref<!tpu.dma_semaphore, #tpu.memory_space<semaphore_mem>>
      tpu.enqueue_dma source(%arg4 : memref<16xf32, #tpu.memory_space<hbm>>) target(%arg8 : memref<16xf32, #tpu.memory_space<vmem>>) target_semaphore(%run_scoped3A : memref<!tpu.dma_semaphore, #tpu.memory_space<semaphore_mem>>)
      tpu.wait_dma2 semaphore(%run_scoped3A : memref<!tpu.dma_semaphore, #tpu.memory_space<semaphore_mem>>) src(%arg4 : memref<16xf32, #tpu.memory_space<hbm>>) dst(%arg8 : memref<16xf32, #tpu.memory_space<vmem>>)
      tpu.yield
    }) : () -> ()
    %scan3A = arith.constant 0 : i32
    %scan3A_3 = arith.constant 0 : i32
    %scan3A_4 = arith.constant 200 : i32
    %scan3A_5 = arith.addi %scan3A_3, %scan3A_4 : i32
    %scan3A_6 = arith.constant 4 : i32
    scf.for %scan3A_59 = %scan3A_3 to %scan3A_5 step %scan3A_6  : i32 {
      %mul3A_60 = arith.constant 128 : i32
      %mul3A_61 = arith.muli %scan3A_59, %mul3A_60 : i32
      %multiple_of3A_62 = tpu.assume_multiple %mul3A_61, 128 : i32
      %dma_start3A = tpu.memref_slice %arg7[%multiple_of3A_62] : memref<25600xf32, #tpu.memory_space<vmem>> -> memref<128xf32, #tpu.memory_space<vmem>>
      %dma_start3A_63 = arith.constant 0 : i32
      %dma_start3A_64 = tpu.memref_slice %arg6[%scan3A_59, %dma_start3A_63] : memref<200x128xi32, #tpu.memory_space<vmem>> -> memref<1x128xi32, #tpu.memory_space<vmem>>
      %dma_start3A_65 = tpu.memref_squeeze %dma_start3A_64 : memref<1x128xi32, #tpu.memory_space<vmem>> -> memref<128xi32, #tpu.memory_space<vmem>>
      %dma_start3A_66 = arith.constant 0 : i32
      %dma_start3A_67 = tpu.memref_slice %arg3[%dma_start3A_66] : memref<1000000xf32, #tpu.memory_space<hbm>> -> memref<1000000xf32, #tpu.memory_space<hbm>>
      tpu.enqueue_indirect_dma source(%dma_start3A_67 : memref<1000000xf32, #tpu.memory_space<hbm>>) target(%dma_start3A : memref<128xf32, #tpu.memory_space<vmem>>) offsets(%dma_start3A_65 : memref<128xi32, #tpu.memory_space<vmem>>) semaphore(%arg10 : memref<!tpu.dma_semaphore, #tpu.memory_space<semaphore_mem>>)
      %scan3A_68 = arith.constant 1 : i32
      %scan3A_69 = arith.addi %scan3A_59, %scan3A_68 : i32
      %mul3A_70 = arith.constant 128 : i32
      %mul3A_71 = arith.muli %scan3A_69, %mul3A_70 : i32
      %multiple_of3A_72 = tpu.assume_multiple %mul3A_71, 128 : i32
      %dma_start3A_73 = tpu.memref_slice %arg7[%multiple_of3A_72] : memref<25600xf32, #tpu.memory_space<vmem>> -> memref<128xf32, #tpu.memory_space<vmem>>
      %dma_start3A_74 = arith.constant 0 : i32
      %dma_start3A_75 = tpu.memref_slice %arg6[%scan3A_69, %dma_start3A_74] : memref<200x128xi32, #tpu.memory_space<vmem>> -> memref<1x128xi32, #tpu.memory_space<vmem>>
      %dma_start3A_76 = tpu.memref_squeeze %dma_start3A_75 : memref<1x128xi32, #tpu.memory_space<vmem>> -> memref<128xi32, #tpu.memory_space<vmem>>
      %dma_start3A_77 = arith.constant 0 : i32
      %dma_start3A_78 = tpu.memref_slice %arg3[%dma_start3A_77] : memref<1000000xf32, #tpu.memory_space<hbm>> -> memref<1000000xf32, #tpu.memory_space<hbm>>
      tpu.enqueue_indirect_dma source(%dma_start3A_78 : memref<1000000xf32, #tpu.memory_space<hbm>>) target(%dma_start3A_73 : memref<128xf32, #tpu.memory_space<vmem>>) offsets(%dma_start3A_76 : memref<128xi32, #tpu.memory_space<vmem>>) semaphore(%arg10 : memref<!tpu.dma_semaphore, #tpu.memory_space<semaphore_mem>>)
      %scan3A_79 = arith.constant 2 : i32
      %scan3A_80 = arith.addi %scan3A_59, %scan3A_79 : i32
      %mul3A_81 = arith.constant 128 : i32
      %mul3A_82 = arith.muli %scan3A_80, %mul3A_81 : i32
      %multiple_of3A_83 = tpu.assume_multiple %mul3A_82, 128 : i32
      %dma_start3A_84 = tpu.memref_slice %arg7[%multiple_of3A_83] : memref<25600xf32, #tpu.memory_space<vmem>> -> memref<128xf32, #tpu.memory_space<vmem>>
      %dma_start3A_85 = arith.constant 0 : i32
      %dma_start3A_86 = tpu.memref_slice %arg6[%scan3A_80, %dma_start3A_85] : memref<200x128xi32, #tpu.memory_space<vmem>> -> memref<1x128xi32, #tpu.memory_space<vmem>>
      %dma_start3A_87 = tpu.memref_squeeze %dma_start3A_86 : memref<1x128xi32, #tpu.memory_space<vmem>> -> memref<128xi32, #tpu.memory_space<vmem>>
      %dma_start3A_88 = arith.constant 0 : i32
      %dma_start3A_89 = tpu.memref_slice %arg3[%dma_start3A_88] : memref<1000000xf32, #tpu.memory_space<hbm>> -> memref<1000000xf32, #tpu.memory_space<hbm>>
      tpu.enqueue_indirect_dma source(%dma_start3A_89 : memref<1000000xf32, #tpu.memory_space<hbm>>) target(%dma_start3A_84 : memref<128xf32, #tpu.memory_space<vmem>>) offsets(%dma_start3A_87 : memref<128xi32, #tpu.memory_space<vmem>>) semaphore(%arg10 : memref<!tpu.dma_semaphore, #tpu.memory_space<semaphore_mem>>)
      %scan3A_90 = arith.constant 3 : i32
      %scan3A_91 = arith.addi %scan3A_59, %scan3A_90 : i32
      %mul3A_92 = arith.constant 128 : i32
      %mul3A_93 = arith.muli %scan3A_91, %mul3A_92 : i32
      %multiple_of3A_94 = tpu.assume_multiple %mul3A_93, 128 : i32
      %dma_start3A_95 = tpu.memref_slice %arg7[%multiple_of3A_94] : memref<25600xf32, #tpu.memory_space<vmem>> -> memref<128xf32, #tpu.memory_space<vmem>>
      %dma_start3A_96 = arith.constant 0 : i32
      %dma_start3A_97 = tpu.memref_slice %arg6[%scan3A_91, %dma_start3A_96] : memref<200x128xi32, #tpu.memory_space<vmem>> -> memref<1x128xi32, #tpu.memory_space<vmem>>
      %dma_start3A_98 = tpu.memref_squeeze %dma_start3A_97 : memref<1x128xi32, #tpu.memory_space<vmem>> -> memref<128xi32, #tpu.memory_space<vmem>>
      %dma_start3A_99 = arith.constant 0 : i32
      %dma_start3A_100 = tpu.memref_slice %arg3[%dma_start3A_99] : memref<1000000xf32, #tpu.memory_space<hbm>> -> memref<1000000xf32, #tpu.memory_space<hbm>>
      tpu.enqueue_indirect_dma source(%dma_start3A_100 : memref<1000000xf32, #tpu.memory_space<hbm>>) target(%dma_start3A_95 : memref<128xf32, #tpu.memory_space<vmem>>) offsets(%dma_start3A_98 : memref<128xi32, #tpu.memory_space<vmem>>) semaphore(%arg10 : memref<!tpu.dma_semaphore, #tpu.memory_space<semaphore_mem>>)
    }
    %scan3A_7 = arith.constant 200 : i32
    %dma_wait3A = arith.constant 0 : i32
    %dma_wait3A_8 = tpu.memref_slice %arg3[%dma_wait3A] : memref<1000000xf32, #tpu.memory_space<hbm>> -> memref<25600xf32, #tpu.memory_space<hbm>>
    %dma_wait3A_9 = arith.constant 0 : i32
    %dma_wait3A_10 = tpu.memref_slice %arg3[%dma_wait3A_9] : memref<1000000xf32, #tpu.memory_space<hbm>> -> memref<25600xf32, #tpu.memory_space<hbm>>
    tpu.wait_dma2 semaphore(%arg10 : memref<!tpu.dma_semaphore, #tpu.memory_space<semaphore_mem>>) src(%dma_wait3A_10 : memref<25600xf32, #tpu.memory_space<hbm>>) dst(%arg7 : memref<25600xf32, #tpu.memory_space<vmem>>)
    %get3A = arith.constant 0 : index
    %get3A_11 = tpu.vector_load %arg8[%get3A] {strides = array<i32>} : memref<16xf32, #tpu.memory_space<vmem>>, vector<16xf32>,
    %get3A_12 = vector.shape_cast %get3A_11 : vector<16xf32> to vector<16xf32>
    %broadcast_in_dim3A = arith.constant 0.000000e+00 : f32
    %broadcast_in_dim3A_13 = vector.broadcast %broadcast_in_dim3A : f32 to vector<16xf32>
    %scan3A_14 = arith.constant 0 : i32
    %scan3A_15 = arith.constant 200 : i32
    %scan3A_16 = arith.addi %scan3A_14, %scan3A_15 : i32
    %scan3A_17 = arith.constant 2 : i32
    %scan3A_18:8 = scf.for %scan3A_59 = %scan3A_14 to %scan3A_16 step %scan3A_17 iter_args(%scan3A_60 = %broadcast_in_dim3A_13, %scan3A_61 = %broadcast_in_dim3A_13, %scan3A_62 = %broadcast_in_dim3A_13, %scan3A_63 = %broadcast_in_dim3A_13, %scan3A_64 = %broadcast_in_dim3A_13, %scan3A_65 = %broadcast_in_dim3A_13, %scan3A_66 = %broadcast_in_dim3A_13, %scan3A_67 = %broadcast_in_dim3A_13) -> (vector<16xf32>, vector<16xf32>, vector<16xf32>, vector<16xf32>, vector<16xf32>, vector<16xf32>, vector<16xf32>, vector<16xf32>)  : i32 {
      %mul3A_68 = arith.constant 128 : i32
      %mul3A_69 = arith.muli %scan3A_59, %mul3A_68 : i32
      %multiple_of3A_70 = tpu.assume_multiple %mul3A_69, 128 : i32
      %add3A_71 = arith.constant 0 : i32
      %add3A_72 = arith.addi %multiple_of3A_70, %add3A_71 : i32
      %get3A_73 = arith.index_cast %add3A_72 : i32 to index
      %get3A_74 = tpu.vector_load %arg7[%get3A_73] {strides = array<i32>} : memref<25600xf32, #tpu.memory_space<vmem>>, vector<16xf32>,
      %get3A_75 = vector.shape_cast %get3A_74 : vector<16xf32> to vector<16xf32>
      %add3A_76 = arith.addf %scan3A_60, %get3A_75 : vector<16xf32>
      %add3A_77 = arith.constant 16 : i32
      %add3A_78 = arith.addi %multiple_of3A_70, %add3A_77 : i32
      %get3A_79 = arith.index_cast %add3A_78 : i32 to index
      %get3A_80 = tpu.vector_load %arg7[%get3A_79] {strides = array<i32>} : memref<25600xf32, #tpu.memory_space<vmem>>, vector<16xf32>,
      %get3A_81 = vector.shape_cast %get3A_80 : vector<16xf32> to vector<16xf32>
      %add3A_82 = arith.addf %scan3A_61, %get3A_81 : vector<16xf32>
      %add3A_83 = arith.constant 32 : i32
      %add3A_84 = arith.addi %multiple_of3A_70, %add3A_83 : i32
      %get3A_85 = arith.index_cast %add3A_84 : i32 to index
      %get3A_86 = tpu.vector_load %arg7[%get3A_85] {strides = array<i32>} : memref<25600xf32, #tpu.memory_space<vmem>>, vector<16xf32>,
      %get3A_87 = vector.shape_cast %get3A_86 : vector<16xf32> to vector<16xf32>
      %add3A_88 = arith.addf %scan3A_62, %get3A_87 : vector<16xf32>
      %add3A_89 = arith.constant 48 : i32
      %add3A_90 = arith.addi %multiple_of3A_70, %add3A_89 : i32
      %get3A_91 = arith.index_cast %add3A_90 : i32 to index
      %get3A_92 = tpu.vector_load %arg7[%get3A_91] {strides = array<i32>} : memref<25600xf32, #tpu.memory_space<vmem>>, vector<16xf32>,
      %get3A_93 = vector.shape_cast %get3A_92 : vector<16xf32> to vector<16xf32>
      %add3A_94 = arith.addf %scan3A_63, %get3A_93 : vector<16xf32>
      %add3A_95 = arith.constant 64 : i32
      %add3A_96 = arith.addi %multiple_of3A_70, %add3A_95 : i32
      %get3A_97 = arith.index_cast %add3A_96 : i32 to index
      %get3A_98 = tpu.vector_load %arg7[%get3A_97] {strides = array<i32>} : memref<25600xf32, #tpu.memory_space<vmem>>, vector<16xf32>,
      %get3A_99 = vector.shape_cast %get3A_98 : vector<16xf32> to vector<16xf32>
      %add3A_100 = arith.addf %scan3A_64, %get3A_99 : vector<16xf32>
      %add3A_101 = arith.constant 80 : i32
      %add3A_102 = arith.addi %multiple_of3A_70, %add3A_101 : i32
      %get3A_103 = arith.index_cast %add3A_102 : i32 to index
      %get3A_104 = tpu.vector_load %arg7[%get3A_103] {strides = array<i32>} : memref<25600xf32, #tpu.memory_space<vmem>>, vector<16xf32>,
      %get3A_105 = vector.shape_cast %get3A_104 : vector<16xf32> to vector<16xf32>
      %add3A_106 = arith.addf %scan3A_65, %get3A_105 : vector<16xf32>
      %add3A_107 = arith.constant 96 : i32
      %add3A_108 = arith.addi %multiple_of3A_70, %add3A_107 : i32
      %get3A_109 = arith.index_cast %add3A_108 : i32 to index
      %get3A_110 = tpu.vector_load %arg7[%get3A_109] {strides = array<i32>} : memref<25600xf32, #tpu.memory_space<vmem>>, vector<16xf32>,
      %get3A_111 = vector.shape_cast %get3A_110 : vector<16xf32> to vector<16xf32>
      %add3A_112 = arith.addf %scan3A_66, %get3A_111 : vector<16xf32>
      %add3A_113 = arith.constant 112 : i32
      %add3A_114 = arith.addi %multiple_of3A_70, %add3A_113 : i32
      %get3A_115 = arith.index_cast %add3A_114 : i32 to index
      %get3A_116 = tpu.vector_load %arg7[%get3A_115] {strides = array<i32>} : memref<25600xf32, #tpu.memory_space<vmem>>, vector<16xf32>,
      %get3A_117 = vector.shape_cast %get3A_116 : vector<16xf32> to vector<16xf32>
      %add3A_118 = arith.addf %scan3A_67, %get3A_117 : vector<16xf32>
      %scan3A_119 = arith.constant 1 : i32
      %scan3A_120 = arith.addi %scan3A_59, %scan3A_119 : i32
      %mul3A_121 = arith.constant 128 : i32
      %mul3A_122 = arith.muli %scan3A_120, %mul3A_121 : i32
      %multiple_of3A_123 = tpu.assume_multiple %mul3A_122, 128 : i32
      %add3A_124 = arith.constant 0 : i32
      %add3A_125 = arith.addi %multiple_of3A_123, %add3A_124 : i32
      %get3A_126 = arith.index_cast %add3A_125 : i32 to index
      %get3A_127 = tpu.vector_load %arg7[%get3A_126] {strides = array<i32>} : memref<25600xf32, #tpu.memory_space<vmem>>, vector<16xf32>,
      %get3A_128 = vector.shape_cast %get3A_127 : vector<16xf32> to vector<16xf32>
      %add3A_129 = arith.addf %add3A_76, %get3A_128 : vector<16xf32>
      %add3A_130 = arith.constant 16 : i32
      %add3A_131 = arith.addi %multiple_of3A_123, %add3A_130 : i32
      %get3A_132 = arith.index_cast %add3A_131 : i32 to index
      %get3A_133 = tpu.vector_load %arg7[%get3A_132] {strides = array<i32>} : memref<25600xf32, #tpu.memory_space<vmem>>, vector<16xf32>,
      %get3A_134 = vector.shape_cast %get3A_133 : vector<16xf32> to vector<16xf32>
      %add3A_135 = arith.addf %add3A_82, %get3A_134 : vector<16xf32>
      %add3A_136 = arith.constant 32 : i32
      %add3A_137 = arith.addi %multiple_of3A_123, %add3A_136 : i32
      %get3A_138 = arith.index_cast %add3A_137 : i32 to index
      %get3A_139 = tpu.vector_load %arg7[%get3A_138] {strides = array<i32>} : memref<25600xf32, #tpu.memory_space<vmem>>, vector<16xf32>,
      %get3A_140 = vector.shape_cast %get3A_139 : vector<16xf32> to vector<16xf32>
      %add3A_141 = arith.addf %add3A_88, %get3A_140 : vector<16xf32>
      %add3A_142 = arith.constant 48 : i32
      %add3A_143 = arith.addi %multiple_of3A_123, %add3A_142 : i32
      %get3A_144 = arith.index_cast %add3A_143 : i32 to index
      %get3A_145 = tpu.vector_load %arg7[%get3A_144] {strides = array<i32>} : memref<25600xf32, #tpu.memory_space<vmem>>, vector<16xf32>,
      %get3A_146 = vector.shape_cast %get3A_145 : vector<16xf32> to vector<16xf32>
      %add3A_147 = arith.addf %add3A_94, %get3A_146 : vector<16xf32>
      %add3A_148 = arith.constant 64 : i32
      %add3A_149 = arith.addi %multiple_of3A_123, %add3A_148 : i32
      %get3A_150 = arith.index_cast %add3A_149 : i32 to index
      %get3A_151 = tpu.vector_load %arg7[%get3A_150] {strides = array<i32>} : memref<25600xf32, #tpu.memory_space<vmem>>, vector<16xf32>,
      %get3A_152 = vector.shape_cast %get3A_151 : vector<16xf32> to vector<16xf32>
      %add3A_153 = arith.addf %add3A_100, %get3A_152 : vector<16xf32>
      %add3A_154 = arith.constant 80 : i32
      %add3A_155 = arith.addi %multiple_of3A_123, %add3A_154 : i32
      %get3A_156 = arith.index_cast %add3A_155 : i32 to index
      %get3A_157 = tpu.vector_load %arg7[%get3A_156] {strides = array<i32>} : memref<25600xf32, #tpu.memory_space<vmem>>, vector<16xf32>,
      %get3A_158 = vector.shape_cast %get3A_157 : vector<16xf32> to vector<16xf32>
      %add3A_159 = arith.addf %add3A_106, %get3A_158 : vector<16xf32>
      %add3A_160 = arith.constant 96 : i32
      %add3A_161 = arith.addi %multiple_of3A_123, %add3A_160 : i32
      %get3A_162 = arith.index_cast %add3A_161 : i32 to index
      %get3A_163 = tpu.vector_load %arg7[%get3A_162] {strides = array<i32>} : memref<25600xf32, #tpu.memory_space<vmem>>, vector<16xf32>,
      %get3A_164 = vector.shape_cast %get3A_163 : vector<16xf32> to vector<16xf32>
      %add3A_165 = arith.addf %add3A_112, %get3A_164 : vector<16xf32>
      %add3A_166 = arith.constant 112 : i32
      %add3A_167 = arith.addi %multiple_of3A_123, %add3A_166 : i32
      %get3A_168 = arith.index_cast %add3A_167 : i32 to index
      %get3A_169 = tpu.vector_load %arg7[%get3A_168] {strides = array<i32>} : memref<25600xf32, #tpu.memory_space<vmem>>, vector<16xf32>,
      %get3A_170 = vector.shape_cast %get3A_169 : vector<16xf32> to vector<16xf32>
      %add3A_171 = arith.addf %add3A_118, %get3A_170 : vector<16xf32>
      scf.yield %add3A_129, %add3A_135, %add3A_141, %add3A_147, %add3A_153, %add3A_159, %add3A_165, %add3A_171 : vector<16xf32>, vector<16xf32>, vector<16xf32>, vector<16xf32>, vector<16xf32>, vector<16xf32>, vector<16xf32>, vector<16xf32>
    }
    %scan3A_19 = arith.constant 200 : i32
    %add3A_20 = arith.addf %scan3A_18#0, %get3A_12 : vector<16xf32>
    %swap3A = arith.constant 0 : index
    %swap3A_21 = tpu.vector_load %arg9[%swap3A] {strides = array<i32>} : memref<128xf32, #tpu.memory_space<vmem>>, vector<16xf32>,
    %swap3A_22 = vector.shape_cast %swap3A_21 : vector<16xf32> to vector<16xf32>
    %swap3A_23 = vector.shape_cast %add3A_20 : vector<16xf32> to vector<16xf32>
    tpu.vector_store %arg9[%swap3A], %swap3A_23 {strides = array<i32>} : memref<128xf32, #tpu.memory_space<vmem>>, vector<16xf32>,
    %add3A_24 = arith.addf %scan3A_18#1, %get3A_12 : vector<16xf32>
    %swap3A_25 = arith.constant 16 : index
    %swap3A_26 = tpu.vector_load %arg9[%swap3A_25] {strides = array<i32>} : memref<128xf32, #tpu.memory_space<vmem>>, vector<16xf32>,
    %swap3A_27 = vector.shape_cast %swap3A_26 : vector<16xf32> to vector<16xf32>
    %swap3A_28 = vector.shape_cast %add3A_24 : vector<16xf32> to vector<16xf32>
    tpu.vector_store %arg9[%swap3A_25], %swap3A_28 {strides = array<i32>} : memref<128xf32, #tpu.memory_space<vmem>>, vector<16xf32>,
    %add3A_29 = arith.addf %scan3A_18#2, %get3A_12 : vector<16xf32>
    %swap3A_30 = arith.constant 32 : index
    %swap3A_31 = tpu.vector_load %arg9[%swap3A_30] {strides = array<i32>} : memref<128xf32, #tpu.memory_space<vmem>>, vector<16xf32>,
    %swap3A_32 = vector.shape_cast %swap3A_31 : vector<16xf32> to vector<16xf32>
    %swap3A_33 = vector.shape_cast %add3A_29 : vector<16xf32> to vector<16xf32>
    tpu.vector_store %arg9[%swap3A_30], %swap3A_33 {strides = array<i32>} : memref<128xf32, #tpu.memory_space<vmem>>, vector<16xf32>,
    %add3A_34 = arith.addf %scan3A_18#3, %get3A_12 : vector<16xf32>
    %swap3A_35 = arith.constant 48 : index
    %swap3A_36 = tpu.vector_load %arg9[%swap3A_35] {strides = array<i32>} : memref<128xf32, #tpu.memory_space<vmem>>, vector<16xf32>,
    %swap3A_37 = vector.shape_cast %swap3A_36 : vector<16xf32> to vector<16xf32>
    %swap3A_38 = vector.shape_cast %add3A_34 : vector<16xf32> to vector<16xf32>
    tpu.vector_store %arg9[%swap3A_35], %swap3A_38 {strides = array<i32>} : memref<128xf32, #tpu.memory_space<vmem>>, vector<16xf32>,
    %add3A_39 = arith.addf %scan3A_18#4, %get3A_12 : vector<16xf32>
    %swap3A_40 = arith.constant 64 : index
    %swap3A_41 = tpu.vector_load %arg9[%swap3A_40] {strides = array<i32>} : memref<128xf32, #tpu.memory_space<vmem>>, vector<16xf32>,
    %swap3A_42 = vector.shape_cast %swap3A_41 : vector<16xf32> to vector<16xf32>
    %swap3A_43 = vector.shape_cast %add3A_39 : vector<16xf32> to vector<16xf32>
    tpu.vector_store %arg9[%swap3A_40], %swap3A_43 {strides = array<i32>} : memref<128xf32, #tpu.memory_space<vmem>>, vector<16xf32>,
    %add3A_44 = arith.addf %scan3A_18#5, %get3A_12 : vector<16xf32>
    %swap3A_45 = arith.constant 80 : index
    %swap3A_46 = tpu.vector_load %arg9[%swap3A_45] {strides = array<i32>} : memref<128xf32, #tpu.memory_space<vmem>>, vector<16xf32>,
    %swap3A_47 = vector.shape_cast %swap3A_46 : vector<16xf32> to vector<16xf32>
    %swap3A_48 = vector.shape_cast %add3A_44 : vector<16xf32> to vector<16xf32>
    tpu.vector_store %arg9[%swap3A_45], %swap3A_48 {strides = array<i32>} : memref<128xf32, #tpu.memory_space<vmem>>, vector<16xf32>,
    %add3A_49 = arith.addf %scan3A_18#6, %get3A_12 : vector<16xf32>
    %swap3A_50 = arith.constant 96 : index
    %swap3A_51 = tpu.vector_load %arg9[%swap3A_50] {strides = array<i32>} : memref<128xf32, #tpu.memory_space<vmem>>, vector<16xf32>,
    %swap3A_52 = vector.shape_cast %swap3A_51 : vector<16xf32> to vector<16xf32>
    %swap3A_53 = vector.shape_cast %add3A_49 : vector<16xf32> to vector<16xf32>
    tpu.vector_store %arg9[%swap3A_50], %swap3A_53 {strides = array<i32>} : memref<128xf32, #tpu.memory_space<vmem>>, vector<16xf32>,
    %add3A_54 = arith.addf %scan3A_18#7, %get3A_12 : vector<16xf32>
    %swap3A_55 = arith.constant 112 : index
    %swap3A_56 = tpu.vector_load %arg9[%swap3A_55] {strides = array<i32>} : memref<128xf32, #tpu.memory_space<vmem>>, vector<16xf32>,
    %swap3A_57 = vector.shape_cast %swap3A_56 : vector<16xf32> to vector<16xf32>
    %swap3A_58 = vector.shape_cast %add3A_54 : vector<16xf32> to vector<16xf32>
    tpu.vector_store %arg9[%swap3A_55], %swap3A_58 {strides = array<i32>} : memref<128xf32, #tpu.memory_space<vmem>>, vector<16xf32>,
    "tpu.region"() ({
      %run_scoped3A = tpu.sem_alloc : memref<!tpu.dma_semaphore, #tpu.memory_space<semaphore_mem>>
      %dma_start3A = tpu.memref_slice %arg5[%multiple_of3A] : memref<4096xf32, #tpu.memory_space<hbm>> -> memref<128xf32, #tpu.memory_space<hbm>>
      %dma_start3A_59 = tpu.memref_slice %arg5[%multiple_of3A] : memref<4096xf32, #tpu.memory_space<hbm>> -> memref<128xf32, #tpu.memory_space<hbm>>
      tpu.enqueue_dma source(%arg9 : memref<128xf32, #tpu.memory_space<vmem>>) target(%dma_start3A_59 : memref<128xf32, #tpu.memory_space<hbm>>) target_semaphore(%run_scoped3A : memref<!tpu.dma_semaphore, #tpu.memory_space<semaphore_mem>>)
      %dma_wait3A_60 = tpu.memref_slice %arg5[%multiple_of3A] : memref<4096xf32, #tpu.memory_space<hbm>> -> memref<128xf32, #tpu.memory_space<hbm>>
      %dma_wait3A_61 = tpu.memref_slice %arg5[%multiple_of3A] : memref<4096xf32, #tpu.memory_space<hbm>> -> memref<128xf32, #tpu.memory_space<hbm>>
      tpu.wait_dma2 semaphore(%run_scoped3A : memref<!tpu.dma_semaphore, #tpu.memory_space<semaphore_mem>>) src(%arg9 : memref<128xf32, #tpu.memory_space<vmem>>) dst(%dma_wait3A_61 : memref<128xf32, #tpu.memory_space<hbm>>)
      tpu.yield
    }) : () -> ()
    return
  }
}

module attributes {stable_mosaic.version = 14 : i64} {
  func.func @_proj_body(%arg0: i32, %arg1: memref<32x65536xf32, #tpu.memory_space<vmem>>, %arg2: memref<32x128xf32, #tpu.memory_space<vmem>>, %arg3: memref<65536xf32, #tpu.memory_space<vmem>>) attributes {dimension_semantics = [#tpu.dimension_semantics<arbitrary>], iteration_bounds = array<i64: 16>, scalar_prefetch = 0 : i64, scratch_operands = 0 : i64, tpu.core_type = #tpu.core_type<tc>, window_params = [{transform_indices = @transform_0, window_bounds = array<i64: 32, 65536>}, {pipeline_mode = #tpu.pipeline_mode<synchronous>, transform_indices = @transform_1, window_bounds = array<i64: 32, 128>}, {transform_indices = @transform_2, window_bounds = array<i64: 65536>}]} {
    %get3A = arith.constant 0 : index
    %get3A_0 = arith.constant 0 : index
    %get3A_1 = vector.load %arg1[%get3A, %get3A_0] : memref<32x65536xf32, #tpu.memory_space<vmem>>, vector<32x65536xf32>
    %get3A_2 = arith.constant 0 : index
    %get3A_3 = arith.constant 0 : index
    %get3A_4 = vector.load %arg2[%get3A_2, %get3A_3] : memref<32x128xf32, #tpu.memory_space<vmem>>, vector<32x1xf32>
    %mul3A = vector.broadcast %get3A_4 : vector<32x1xf32> to vector<32x65536xf32>
    %mul3A_5 = arith.mulf %get3A_1, %mul3A : vector<32x65536xf32>
    %reduce_sum3A = arith.constant dense<0.000000e+00> : vector<65536xf32>
    %reduce_sum3A_6 = vector.multi_reduction <add>, %mul3A_5, %reduce_sum3A [0] : vector<32x65536xf32> to vector<65536xf32>
    %swap3A = arith.constant 0 : index
    %swap3A_7 = vector.load %arg3[%swap3A] : memref<65536xf32, #tpu.memory_space<vmem>>, vector<65536xf32>
    tpu.vector_store %arg3[%swap3A], %reduce_sum3A_6 {strides = array<i32>} : memref<65536xf32, #tpu.memory_space<vmem>>, vector<65536xf32>,
    return
  }
  func.func @transform_0(%arg0: i32) -> (i32, i32) {
    %c0_i32 = arith.constant 0 : i32
    %c0_i32_0 = arith.constant 0 : i32
    return %c0_i32, %arg0 : i32, i32
  }
  func.func @transform_1(%arg0: i32) -> (i32, i32) {
    %c0_i32 = arith.constant 0 : i32
    %c0_i32_0 = arith.constant 0 : i32
    %c0_i32_1 = arith.constant 0 : i32
    return %c0_i32, %c0_i32_0 : i32, i32
  }
  func.func @transform_2(%arg0: i32) -> i32 {
    %c0_i32 = arith.constant 0 : i32
    return %arg0 : i32
  }
}

</mosaic_0001>

<sc_bundles>
// kernel: kernel.4.cloned.1.call-start
scs
__scs_entry_jumppad:
0x0: {  	(pc) =	sbr.rel $0x88, $3  }
0x1: {  	(tag) =	ssettag $0x0;
	lr =	simm.s32 $0x1  }
0x2: {  	[smem:$0x3F9D] =	sst lr;
	_ =	strace $0xD0000000  }
0x3: {  	_ = 	snop  }
0x4: {  	_ = 	snop  }
0x5: {  	_ = 	snop  }
0x6: {  	_ = 	snop  }
0x7: {  	_ = 	snop  }
__scs_overlays_trampoline_lowered:
0x8: {  	[smem:$0x3FAC] =	sst s0  }
0x9: {  	[smem:$0x3FAD] =	sst s1  }
0xa: {  	[smem:$0x3FAE] =	sst s2  }
0xb: {  	[smem:$0x3FAF] =	sst s3  }
0xc: {  	[smem:$0x3FB0] =	sst s4  }
0xd: {  	[smem:$0x3FB1] =	sst s5  }
0xe: {  	[smem:$0x3FB2] =	sst s6  }
0xf: {  	[smem:$0x3FB3] =	sst s7  }
0x10: {  	[smem:$0x3FB4] =	sst s8  }
0x11: {  	[smem:$0x3FB5] =	sst s9;
	s0 =	simm.s32 @!p0 $0x0  }
0x12: {  	s1 =	sld [smem:$0x3F9B];
	s0 =	simm.s32 @p0 $0x1  }
0x13: {  	[smem:$0x3FB6] =	sst s0;
	s0 =	simm.s32 @!p1 $0x0  }
0x14: {  	s2 =	sld [smem:$0x3F9A];
	s0 =	simm.s32 @p1 $0x1  }
0x15: {  	[smem:$0x3FB7] =	sst s0;
	s0 =	simm.s32 @!p2 $0x0  }
0x16: {  	s3 =	sld [smem:$0x3FDB];
	s0 =	simm.s32 @p2 $0x1  }
0x17: {  	s4 =	simm.s32 $0x1BF5;
	[smem:$0x3FB9] =	sst s0  }
0x18: {  	s0 =	sld [smem:$0x3F9C];
	_ =	swait.ge [sflag:s4], $0x0  }
0x19: {  	s7 =	sld [smem:$0x3F9D]  }
0x1a: {  	s8 =	sadd.s32 $0xFFFFE003, lr  }
0x1b: {  	s9 =	sadd.s32 $0xFFFFFEF7, lr;
	s5 =	simm.s32 $0xFFFFFFFF;
	p2 =	slt.u32 s8, $0xFFFFF086  }
0x1c: {  	p1 =	slt.u32 s9, $0xF7A;
	s5 =	simm.s32 @!p2 $0x0  }
0x1d: {  	s5 =	simm.s32 @p1 $0x1;
	p0 =	seq.s32 s7, s2  }
0x1e: {  	s7 =	smul.u32 @!p0 $0xF7A, s2;
	p2 =	seq.s32 @!p0 s5, $0x0  }
0x1f: {  	s9 =	smul.u32 $0xF7A, s1;
	s8 =	simm.s32 @!p0 $0x1BF5;
	p2 =	por !p2, p0  }
0x20: {  	[sflag:s8] =	ssyncset.s32 @!p0 $0xFFFFF086;
	s6 =	sadd.s32 @!p0 s3, s7;
	s7 =	simm.s32 @!p0 $0x108  }
0x21: {  	s3 =	sadd.s32 s3, s9;
	s6 =	sadd.s32 @!p0 $0x88, s6;
	s7 =	simm.s32 @p2 $0x1082  }
0x22: {  	[simem:s7], [sflag:s8] =	dma.local @!p0 [hbm:s6], $0xF7A  }
0x23: {  	s9 =	sor.u32 $0xD0000000, s2;
	s6 =	simm.s32 $0x108;
	_ =	swait.ge @!p0 [sflag:s8], $0x0  }
0x24: {  	s3 =	sadd.s32 $0x88, s3;
	s6 =	simm.s32 @!p1 $0x1082;
	[sflag:s4] =	ssyncset.s32 $0xFFFFF086  }
0x25: {  	[simem:s6], [sflag:s4] =	dma.local [hbm:s3], $0xF7A  }
0x26: {  	[smem:$0x3F9D] =	sst s1;
	(tag) =	ssettag s2;
	_ =	strace s9  }
0x27: {  	s1 =	sld [smem:$0x3FAD]  }
0x28: {  	s2 =	sld [smem:$0x3FAE]  }
0x29: {  	s4 =	sld [smem:$0x3FB0]  }
0x2a: {  	p0 =	seq.s32 s5, $0x0;
	s5 =	sld [smem:$0x3FB1]  }
0x2b: {  	s6 =	sld [smem:$0x3FB2]  }
0x2c: {  	s7 =	sld [smem:$0x3FB3]  }
0x2d: {  	s3 =	simm.s32 $0x108;
	s8 =	sld [smem:$0x3FB4]  }
0x2e: {  	s3 =	simm.s32 @!p0 $0x1082;
	s9 =	sld [smem:$0x3FB5]  }
0x2f: {  	lr =	sadd.s32 s0, s3;
	s0 =	sld [smem:$0x3FAC]  }
0x30: {  	s3 =	sld [smem:$0x3FAF]  }
0x31: {  	[smem:$0x3FB8] =	sst s10  }
0x32: {  	s10 =	sld [smem:$0x3FB6];
	_ =	sdelay $0x3  }
0x33: {  	p0 =	seq.s32 s10, $0x1;
	s10 =	sld [smem:$0x3FB8];
	_ =	sdelay $0x3  }
0x34: {  	[smem:$0x3FB8] =	sst s10  }
0x35: {  	s10 =	sld [smem:$0x3FB7];
	_ =	sdelay $0x3  }
0x36: {  	p1 =	seq.s32 s10, $0x1;
	s10 =	sld [smem:$0x3FB8];
	_ =	sdelay $0x3  }
0x37: {  	[smem:$0x3FB8] =	sst s10  }
0x38: {  	s10 =	sld [smem:$0x3FB9]  }
0x39: {  	_ = 	snop;
	(pc) =	sbr.ind lr, $3  }
0x3a: {  	_ = 	snop  }
0x3b: {  	_ = 	snop  }
0x3c: {  	p2 =	seq.s32 s10, $0x1;
	s10 =	sld [smem:$0x3FB8]  }
0x3d: {  	_ =	shalt  }
0x3e: {  	_ =	shalt  }
0x3f: {  	_ =	shalt  }
0x40: {  	_ =	shalt  }
0x41: {  	_ =	shalt  }
0x42: {  	_ =	shalt  }
0x43: {  	_ =	shalt  }
0x44: {  	_ =	shalt  }
0x45: {  	_ =	shalt  }
0x46: {  	_ =	shalt  }
0x47: {  	_ =	shalt  }
0x48: {  	_ =	shalt  }
0x49: {  	_ =	shalt  }
0x4a: {  	_ =	shalt  }
0x4b: {  	_ =	shalt  }
0x4c: {  	_ =	shalt  }
0x4d: {  	_ =	shalt  }
0x4e: {  	_ =	shalt  }
0x4f: {  	_ =	shalt  }
0x50: {  	_ =	shalt  }
0x51: {  	_ =	shalt  }
0x52: {  	_ =	shalt  }
0x53: {  	_ =	shalt  }
0x54: {  	_ =	shalt  }
0x55: {  	_ =	shalt  }
0x56: {  	_ =	shalt  }
0x57: {  	_ =	shalt  }
0x58: {  	_ =	shalt  }
0x59: {  	_ =	shalt  }
0x5a: {  	_ =	shalt  }
0x5b: {  	_ =	shalt  }
0x5c: {  	_ =	shalt  }
0x5d: {  	_ =	shalt  }
0x5e: {  	_ =	shalt  }
0x5f: {  	_ =	shalt  }
0x60: {  	_ =	shalt  }
0x61: {  	_ =	shalt  }
0x62: {  	_ =	shalt  }
0x63: {  	_ =	shalt  }
0x64: {  	_ =	shalt  }
0x65: {  	_ =	shalt  }
0x66: {  	_ =	shalt  }
0x67: {  	_ =	shalt  }
0x68: {  	_ =	shalt  }
0x69: {  	_ =	shalt  }
0x6a: {  	_ =	shalt  }
0x6b: {  	_ =	shalt  }
0x6c: {  	_ =	shalt  }
0x6d: {  	_ =	shalt  }
0x6e: {  	_ =	shalt  }
0x6f: {  	_ =	shalt  }
0x70: {  	_ =	shalt  }
0x71: {  	_ =	shalt  }
0x72: {  	_ =	shalt  }
0x73: {  	_ =	shalt  }
0x74: {  	_ =	shalt  }
0x75: {  	_ =	shalt  }
0x76: {  	_ =	shalt  }
0x77: {  	_ =	shalt  }
0x78: {  	_ =	shalt  }
0x79: {  	_ =	shalt  }
0x7a: {  	_ =	shalt  }
0x7b: {  	_ =	shalt  }
0x7c: {  	_ =	shalt  }
0x7d: {  	_ =	shalt  }
0x7e: {  	_ =	shalt  }
0x7f: {  	_ =	shalt  }
0x80: {  	_ =	shalt  }
0x81: {  	_ =	shalt  }
0x82: {  	_ =	shalt  }
0x83: {  	_ =	shalt  }
0x84: {  	_ =	shalt  }
0x85: {  	_ =	shalt  }
0x86: {  	_ =	shalt  }
0x87: {  	_ =	shalt  }
.Lfunc_end0:
.L_simem_size_0:
called_computation_lowered:
.L_overlay_start_0:
0x88: {  	s2 =	sld [smem:$0x3FD9]  }
0x89: {  	s3 =	sld [smem:$0x3FFE];
	_ =	sdelay $0x1  }
0x8a: {  	s1 =	srdreg.scid  }
0x8b: {  	s0 =	sand.u32 $0x1, s1  }
0x8c: {  	s17 =	sshll.u32 s0, $0xA;
	s2 =	sadd.s32 s3, s2  }
0x8d: {  	s2 =	sadd.s32 s2, s17  }
0x8e: {  	[smem:$0x3FC4] =	sst s2  }
0x8f: {  	_ = 	snop  }
0x90: {  	s2 =	sld [smem:$0x3FC9]  }
0x91: {  	s18 =	sld [smem:$0x3FD0];
	(tm) =	ssettm $0x1  }
0x92: {  	s4 =	sld [smem:$0x3FFB];
	_ =	sdelay $0x3  }
0x93: {  	_ =	strace s4  }
0x94: {  	s4 =	sld [smem:$0x3FFC];
	_ =	sdelay $0x3  }
0x95: {  	_ =	strace s4  }
0x96: {  	s4 =	sld [smem:$0x3FFD];
	_ =	sdelay $0x3  }
0x97: {  	_ =	strace s4  }
0x98: {  	_ =	strace $0x8FFFFFFF  }
0x99: {  	s19 =	sld [smem:$0x3FDB];
	_ =	sdelay $0x1  }
0x9a: {  	s5 =	simm.s32 $_scs_section_size  }
0x9b: {  	s6 =	simm.s32 $_size__tile_overlayer_lowered;
	s7 =	simm.s32 $_tile_overlayer_lowered  }
0x9c: {  	s22 =	simm.s32 $0x1BFF;
	s21 =	sshll.u32 s7, $0x1;
	s4 =	sadd.s32 s5, s19  }
0x9d: {  	s8 =	simm.s32 $0x0;
	s20 =	sshll.u32 s6, $0x1;
	s6 =	sadd.s32 s21, s4  }
0x9e: {  	[timem:s8], [sflag:s22] =	dma.local [hbm:s6], s20  }
0x9f: {  	_ =	swait.ge [sflag:s22], s20  }
0xa0: {  	s5 =	ssub.s32 $0x0, s20;
	[sflag:s22] =	ssyncset.done $0x0  }
0xa1: {  	[sflag:s22] =	ssyncadd.s32 s5;
	_ =	sdelay $0x1  }
0xa2: {  	s23 =	simm.s32 $0x1B8B  }
0xa3: {  	_ =	swait.ge [sflag:s23], $0x1  }
0xa4: {  	[sflag:s23] =	ssyncset.done $0x0  }
0xa5: {  	s25 =	simm.s32 $0x1B8E;
	s24 =	sld [smem:$0x3FFE];
	[sflag:s23] =	ssyncadd.s32 $0xFFFFFFFF  }
0xa6: {  	s26 =	simm.s32 $execute0_lowered;
	[smem:$0x3FD2] =	sst s25  }
0xa7: {  	s6 =	sshll.u32 s26, $0x1;
	_ =	strace $0x80000046;
	[dreg:$0x1] =	wrdreg $0xFFFFFFFF  }
0xa8: {  	s28 =	simm.s32 $_size_execute0_lowered;
	s4 =	sadd.s32 s4, s6;
	[dreg:$0x0] =	wrdreg $0x0  }
0xa9: {  	s6 =	sshll.u32 s28, $0x1;
	[dreg:$0x2] =	wrdreg s4  }
0xaa: {  	[dreg:$0x3] =	wrdreg s6  }
0xab: {  	[dreg:$0x4] =	wrdreg $0xC0  }
0xac: {  	_ =	task [dreg:s8], $0x5FFFF  }
0xad: {  	[dreg:$0x1] =	wrdreg $0xFFFFFFFF  }
0xae: {  	[dreg:$0x0] =	wrdreg $0x60  }
0xaf: {  	[dreg:$0x2] =	wrdreg s2  }
0xb0: {  	[dreg:$0x3] =	wrdreg s24  }
0xb1: {  	[dreg:$0x4] =	wrdreg s18  }
0xb2: {  	[dreg:$0x5] =	wrdreg $0x9  }
0xb3: {  	_ =	task.clear_ibuf [dreg:s8], $0x6FFFF;
	_ =	strace $0x90000046  }
0xb4: {  	s29 =	simm.s32 $0x9;
	_ =	strace $0x80000048  }
0xb5: {  	_ =	swait.ge [sflag:s29], $0x1  }
0xb6: {  	[sflag:s29] =	ssyncadd.s32 $0xFFFFFFFF  }
0xb7: {  	_ =	strace $0x90000048  }
0xb8: {  	_ =	sfence  }
0xb9: {  	s30 =	sld [smem:$0x0];
	_ =	sdelay $0x2  }
0xba: {  	s31 =	sshll.u32 s1, $0xD;
	s1 =	sshrl.u32 s1, $0x2  }
0xbb: {  	s3 =	sand.u32 $0x4000, s31;
	s1 =	sadd.s32 s1, s30  }
0xbc: {  	s0 =	sor.u32 s3, s0;
	s1 =	sshll.u32 s1, $0x11  }
0xbd: {  	s0 =	sor.u32 s1, s0  }
0xbe: {  	s0 =	sadd.s32 $0x8F2B, s0  }
0xbf: {  	[sflag:s0] =	ssyncadd.remote.s32 $0x1  }
0xc0: {  	_ =	sfence.sel $0xFFFF  }
0xc1: {  	[dreg:$0x0] =	wrdreg $0xFFFFFFFF;
	(pc) =	sbr.abs _section_cstart, $3  }
0xc2: {  	[dreg:$0x1] =	wrdreg $0xFFFFFFFF  }
0xc3: {  	_ =	task.clear_ibuf [dreg:s8], $0x2FFFF;
	_ =	strace $0x9FFFFFFF  }
0xc4: {  	(tm) =	ssettm $0x7FFFFFFF  }
0xc5: {  	_ =	shalt  }
tec
execute0_lowered:
.L_overlay_start_1:
0x0: {  	(tag) =	ssettag $0x1  }
0x1: {  	s5 =	rddreg [dreg:$0x0]  }
0x2: {  	s4 =	rddreg [dreg:$0x1]  }
0x3: {  	s6 =	rddreg [dreg:$0x2]  }
0x4: {  	s0 =	rddreg [dreg:$0x3];
	s2 =	simm.s32 $0x0;
	s7 =	srdreg.scid  }
0x5: {  	s1 =	stileid.u32;
	s11 =	simm.s32 $0xC800;
	s12 =	simm.s32 $0x80  }
0x6: {  	s13 =	simm.s32 $0x1;
	s14 =	simm.s32 $0xC880;
	s15 =	simm.s32 $0x0  }
0x7: {  	[smem:$0x7FF] =	sst s2;
	s3 =	sadd.s32 $0x600, s4;
	s7 =	sand.u32 $0x1, s7  }
0x8: {  	s8 =	sshll.u32 s1, $0x1;
	s4 =	sadd.s32 $0x1F000, s4;
	s9 =	ssub.s32 $0x2, s7  }
0x9: {  	_ =	strace $0x80000047;
	s7 =	sor.u32 s7, s8;
	s31 =	sshrl.u32 s9, $0x1  }
0xa: {  	s10 =	sshll.u32 s7, $0x7;
	s7 =	sshll.u32 s7, $0x4;
	s8 =	ssub.s32 s9, s31  }
0xb: {  	s5 =	sadd.s32 s5, s10;
	s6 =	sadd.s32 s6, s7;
	s9 =	simm.s32 $0x8000  }
0xc: {  	s10 =	simm.s32 $0x2;
	s7 =	smax.u32 s8, $0x1;
	s8 =	simm.s32 $0x400  }
.LBB2_1:
0xd: {  	[tilespmem:s2], [sflag:$0x2] =	stream.strided.gather [hbm4b:s5+s8], $0x6400, s9, s8, $0x38;
	[tilespmem:$0xC900] =	vst v63  }
0xe: {  	_ =	swait.ge [sflag:s10], $0x6400  }
0xf: {  	[sflag:s10] =	ssyncset.done $0x0  }
0x10: {  	[sflag:s10] =	ssyncadd.s32 $0xFFFF9C00  }
0x11: {  	[tilespmem:s11], [sflag:$0x2] =	stream.linear.gather [hbm4b:s4+s2], $0x80, $0x38;
	[tilespmem:$0xC900] =	vst v63  }
0x12: {  	s16 =	simm.s32 $0x0;
	_ =	swait.ge [sflag:s10], $0x80  }
0x13: {  	s17 =	simm.s32 $0x6400;
	s28 =	simm.s32 $0x6480;
	[sflag:s10] =	ssyncset.done $0x0  }
0x14: {  	s29 =	simm.s32 $0x80;
	s30 =	simm.s32 $0x6500;
	[sflag:s10] =	ssyncadd.s32 $0xFFFFFF80  }
0x15: {  	[tilespmem:s17], [sflag:$0x1] =	stream.indirect.gather [hbm4b:s3+s12], $0x1, s16, s12, $0xb8;
	[tilespmem:$0xC900] =	vst v63  }
0x16: {  	s31 =	simm.s32 $0x100;
	s18 =	simm.s32 $0x1000;
	s19 =	simm.s32 $0x6580  }
0x17: {  	[tilespmem:s28], [sflag:$0x1] =	stream.indirect.gather [hbm4b:s3+s12], $0x1, s29, s12, $0xb8;
	[tilespmem:$0xC900] =	vst v63  }
0x18: {  	s20 =	simm.s32 $0x180;
	s16 =	simm.s32 $0x200;
	s17 =	simm.s32 $0x4  }
0x19: {  	[tilespmem:s30], [sflag:$0x1] =	stream.indirect.gather [hbm4b:s3+s12], $0x1, s31, s12, $0xb8;
	[tilespmem:$0xC900] =	vst v63  }
.LBB2_2:
0x1a: {  	[tilespmem:s19], [sflag:$0x1] =	stream.indirect.gather [hbm4b:s3+s12], $0x1, s20, s12, $0xb8;
	[tilespmem:$0xC900] =	vst v63  }
0x1b: {  	s20 =	smov.u32 s16;
	s17 =	sadd.s32 $0x4, s17  }
0x1c: {  	s16 =	sshra.s32 s18, $0x2;
	s19 =	sadd.s32 $0x6400, s20;
	p0 =	slt.u32 s17, $0xC4  }
0x1d: {  	[tilespmem:s19], [sflag:$0x1] =	stream.indirect.gather [hbm4b:s3+s12], $0x1, s20, s12, $0xb8;
	[tilespmem:$0xC900] =	vst v63  }
.Ltmp0:
0x1e: {  	s21 =	sadd.s32 $0x80, s20;
	s19 =	sadd.s32 $0x6480, s20;
	(pc) =	sbr.rel @p0 .LBB2_2-.Ltmp0, $4  }
0x1f: {  	[tilespmem:s19], [sflag:$0x1] =	stream.indirect.gather [hbm4b:s3+s12], $0x1, s21, s12, $0xb8;
	[tilespmem:$0xC900] =	vst v63  }
0x20: {  	s19 =	sadd.s32 $0x6500, s20;
	s21 =	sadd.s32 $0x100, s20  }
0x21: {  	[tilespmem:s19], [sflag:$0x1] =	stream.indirect.gather [hbm4b:s3+s12], $0x1, s21, s12, $0xb8;
	[tilespmem:$0xC900] =	vst v63  }
0x22: {  	s18 =	sadd.s32 $0x800, s18;
	s19 =	sadd.s32 $0x6580, s20;
	s20 =	sadd.s32 $0x180, s20  }
0x23: {  	[tilespmem:s19], [sflag:$0x1] =	stream.indirect.gather [hbm4b:s3+s12], $0x1, s20, s12, $0xb8;
	[tilespmem:$0xC900] =	vst v63  }
0x24: {  	s17 =	sadd.s32 $0x6400, s16  }
0x25: {  	[tilespmem:s17], [sflag:$0x1] =	stream.indirect.gather [hbm4b:s3+s12], $0x1, s16, s12, $0xb8;
	[tilespmem:$0xC900] =	vst v63  }
0x26: {  	s25 =	sadd.s32 $0x6480, s16;
	s18 =	sadd.s32 $0x80, s16  }
0x27: {  	[tilespmem:s25], [sflag:$0x1] =	stream.indirect.gather [hbm4b:s3+s12], $0x1, s18, s12, $0xb8;
	[tilespmem:$0xC900] =	vst v63  }
0x28: {  	s26 =	sadd.s32 $0x6500, s16;
	s28 =	sadd.s32 $0x100, s16  }
0x29: {  	[tilespmem:s26], [sflag:$0x1] =	stream.indirect.gather [hbm4b:s3+s12], $0x1, s28, s12, $0xb8;
	[tilespmem:$0xC900] =	vst v63  }
0x2a: {  	s29 =	sadd.s32 $0x6580, s16;
	s30 =	sadd.s32 $0x180, s16  }
0x2b: {  	[tilespmem:s29], [sflag:$0x1] =	stream.indirect.gather [hbm4b:s3+s12], $0x1, s30, s12, $0xb8;
	[tilespmem:$0xC900] =	vst v63  }
0x2c: {  	_ =	swait.ge [sflag:s13], $0x6400  }
0x2d: {  	[sflag:s13] =	ssyncset.done $0x0  }
0x2e: {  	[sflag:s13] =	ssyncadd.s32 $0xFFFF9C00  }
0x2f: {  	s31 =	simm.s32 $0x6480;
	v0 =	vld [tilespmem:$0xC800]  }
0x30: {  	v6 =	vld [tilespmem:s31+$0x0]  }
0x31: {  	v8 =	vld [tilespmem:s31+$0x10]  }
0x32: {  	v3 =	vld [tilespmem:s31+$0x20]  }
0x33: {  	v4 =	vld [tilespmem:s31+$0x30]  }
0x34: {  	v1 =	vld [tilespmem:s31+$0x40]  }
0x35: {  	v7 =	vld [tilespmem:s31+$0xFFFFFF80]  }
0x36: {  	v9 =	vld [tilespmem:s31+$0xFFFFFF90]  }
0x37: {  	v10 =	vld [tilespmem:s31+$0xFFFFFFA0]  }
0x38: {  	v11 =	vld [tilespmem:s31+$0xFFFFFFB0]  }
0x39: {  	v2 =	vld [tilespmem:s31+$0x50]  }
0x3a: {  	v12 =	vld [tilespmem:s31+$0xFFFFFFC0]  }
0x3b: {  	v5 =	vimm.f32 $0.0e+00;
	v14 =	vld [tilespmem:s31+$0xFFFFFFD0]  }
0x3c: {  	v13 =	vld [tilespmem:s31+$0xFFFFFFE0];
	v7 =	vadd.f32 v7, v5  }
0x3d: {  	v16 =	vld [tilespmem:s31+$0xFFFFFFF0];
	v9 =	vadd.f32 v9, v5;
	v17 =	vadd.f32 v10, v5  }
0x3e: {  	v15 =	vld [tilespmem:s31+$0x70];
	v18 =	vadd.f32 v11, v5;
	v10 =	vimm.f32 $0.0e+00;
	v7 =	vadd.f32 v6, v7  }
0x3f: {  	s16 =	simm.s32 $0x0;
	s17 =	simm.s32 $0x6580;
	v11 =	vld [tilespmem:s31+$0x60];
	v6 =	vadd.f32 v8, v9;
	v9 =	vimm.f32 $0.0e+00;
	v8 =	vimm.f32 $0.0e+00  }
.LBB2_4:
0x40: {  	v19 =	vld [tilespmem:s17+$0x0];
	v17 =	vadd.f32 v3, v17;
	v18 =	vadd.f32 v4, v18  }
0x41: {  	v5 =	vadd.f32 v12, v5;
	v9 =	vadd.f32 v14, v9;
	v20 =	vld [tilespmem:s17+$0x10]  }
0x42: {  	v10 =	vadd.f32 v13, v10;
	v3 =	vld [tilespmem:s17+$0x20];
	v8 =	vadd.f32 v16, v8  }
0x43: {  	v5 =	vadd.f32 v1, v5;
	v9 =	vadd.f32 v2, v9;
	v4 =	vld [tilespmem:s17+$0x30]  }
0x44: {  	v10 =	vadd.f32 v11, v10;
	v1 =	vld [tilespmem:s17+$0x40];
	v8 =	vadd.f32 v15, v8  }
0x45: {  	v2 =	vld [tilespmem:s17+$0x50]  }
0x46: {  	v11 =	vld [tilespmem:s17+$0xFFFFFF80]  }
0x47: {  	v15 =	vld [tilespmem:s17+$0xFFFFFF90]  }
0x48: {  	v21 =	vld [tilespmem:s17+$0xFFFFFFA0]  }
0x49: {  	s16 =	sadd.s32 $0x2, s16;
	v22 =	vld [tilespmem:s17+$0xFFFFFFB0]  }
0x4a: {  	p0 =	slt.u32 s16, $0xC6;
	v12 =	vld [tilespmem:s17+$0xFFFFFFC0]  }
.Ltmp1:
0x4b: {  	v14 =	vld [tilespmem:s17+$0xFFFFFFD0];
	(pc) =	sbr.rel @p0 .LBB2_4-.Ltmp1, $4  }
0x4c: {  	v13 =	vld [tilespmem:s17+$0xFFFFFFE0]  }
0x4d: {  	v7 =	vadd.f32 v11, v7;
	v6 =	vadd.f32 v15, v6;
	v16 =	vld [tilespmem:s17+$0xFFFFFFF0]  }
0x4e: {  	v17 =	vadd.f32 v21, v17;
	v18 =	vadd.f32 v22, v18;
	v11 =	vld [tilespmem:s17+$0x60]  }
0x4f: {  	v7 =	vadd.f32 v19, v7;
	v6 =	vadd.f32 v20, v6;
	v15 =	vld [tilespmem:s17+$0x70];
	s17 =	sadd.s32 $0x100, s17  }
0x50: {  	v3 =	vadd.f32 v3, v17;
	v4 =	vadd.f32 v4, v18  }
0x51: {  	v5 =	vadd.f32 v12, v5;
	v9 =	vadd.f32 v14, v9  }
0x52: {  	v10 =	vadd.f32 v13, v10;
	v7 =	vadd.f32 v7, v0  }
0x53: {  	v6 =	vadd.f32 v6, v0;
	v8 =	vadd.f32 v16, v8  }
0x54: {  	v1 =	vadd.f32 v1, v5;
	v3 =	vadd.f32 v3, v0;
	[tilespmem:$0xC880] =	vst v7  }
0x55: {  	v2 =	vadd.f32 v2, v9;
	v4 =	vadd.f32 v4, v0;
	[tilespmem:$0xC890] =	vst v6  }
0x56: {  	v60 =	vadd.f32 v11, v10;
	[tilespmem:$0xC8A0] =	vst v3;
	v1 =	vadd.f32 v1, v0  }
0x57: {  	v61 =	vadd.f32 v15, v8;
	[tilespmem:$0xC8B0] =	vst v4;
	v2 =	vadd.f32 v2, v0  }
0x58: {  	v62 =	vadd.f32 v60, v0;
	[tilespmem:$0xC8C0] =	vst v1  }
0x59: {  	s15 =	sadd.s32 $0x1, s15;
	[tilespmem:$0xC8D0] =	vst v2;
	v63 =	vadd.f32 v61, v0  }
0x5a: {  	p0 =	sne.s32 s15, s7;
	[tilespmem:$0xC8E0] =	vst v62  }
.Ltmp2:
0x5b: {  	[tilespmem:$0xC8F0] =	vst v63;
	(pc) =	sbr.rel @p0 .LBB2_1-.Ltmp2, $4  }
0x5c: {  	[hbm4b:s6+s2] =	stream.linear.scatter [tilespmem:s14], [sflag:$0x2], $0x80, $0x38;
	[tilespmem:$0xC900] =	vst v63  }
0x5d: {  	_ =	swait.ge [sflag:s10], $0x80  }
0x5e: {  	[sflag:s10] =	ssyncset.done $0x0  }
0x5f: {  	[sflag:s10] =	ssyncadd.s32 $0xFFFFFF80  }
0x60: {  	_ =	sfence.sel $0x180000  }
0x61: {  	[bflag:$0x0] =	sbarrier.arrive $0xFFFF  }
0x62: {  	p0 =	sne.s32 s1, $0x0;
	_ =	strace $0x90000047  }
0x63: {  	s0 =	sadd.s32 @!p0 $0x100000, s0;
	[bflag:$0x2] =	sbarrier.arrive $0xFFFF  }
0x64: {  	[sflag:s0] =	ssyncadd.tile.s32 @!p0 $0x1;
	_ =	shalt  }
.Lfunc_end2:
_tile_overlayer_lowered:
.L_overlay_start_2:
0x65: {  	(tag) =	ssettag $0x2  }
0x66: {  	s0 =	rddreg [dreg:$0x0];
	s2 =	stileid.u32  }
0x67: {  	s1 =	rddreg [dreg:$0x1];
	p0 =	sne.s32 s2, $0x0  }
0x68: {  	s3 =	rddreg [dreg:$0x2];
	[bflag:$0x3] =	sbarrier.arrive $0xFFFF;
	s2 =	simm.s32 @!p0 $0x1C02  }
0x69: {  	[timem:s3], [sflag:s2] =	dma.local @!p0 [hbm:s0], s1  }
0x6a: {  	s0 =	simm.s32 @!p0 $0x2  }
0x6b: {  	_ =	swait.ge @!p0 [sflag:s0], s1  }
0x6c: {  	s1 =	ssub.s32 @!p0 $0x0, s1;
	[sflag:s0] =	ssyncset.done @!p0 $0x0  }
0x6d: {  	[sflag:s0] =	ssyncadd.s32 @!p0 s1  }
0x6e: {  	[bflag:$0x3] =	sbarrier.arrive $0xFFFF  }
0x6f: {  	_ =	shalt  }

</sc_bundles>
